<compile_context>
chip_gen: v7x
topology: tpu7x:2x2x1
jax: 0.10.2.dev20260603
libtpu: 0.0.44.dev20260713+nightly
codegen_flags: <defaults>
</compile_context>

<pallas_src>
import functools

import jax
import jax.numpy as jnp
from jax import lax
from jax.experimental import pallas as pl
from jax.experimental.pallas import tpu as pltpu
from jax.experimental.pallas import tpu_sc as plsc

_H = 224
_W = 224
_NH = 14
_S = _NH * _NH
_C = 96
_N = _H * _W
_BAND = 16 * _W
_NEG = -1e30
_TN = (((0,), (0,)), ((), ()))
_HI = lax.Precision.HIGHEST

_NWORK = 32
_BPW = _N // _NWORK
_CHUNK = _BPW // 2
_TD = 128


def _tc_body(x_ref, lab_ref, means_ref, centT, cnorm, acc, cnt):
    t = pl.program_id(0)
    ph = t // _NH
    c = t % _NH

    ri = lax.broadcasted_iota(jnp.int32, (_BAND, _S), 0)
    ji = lax.broadcasted_iota(jnp.int32, (_BAND, _S), 1)
    rf = ri.astype(jnp.float32)
    jf = ji.astype(jnp.float32)
    rb = jnp.floor(rf * (1.0 / 16.0))
    bx = rb - 14.0 * jnp.floor((rb + 0.5) * (1.0 / 14.0))
    sy = jnp.floor((jf + 0.5) * (1.0 / 14.0))
    sx = jf - 14.0 * sy
    cf = c.astype(jnp.float32)

    @pl.when((c == 0) & (ph == 1))
    def _():
        cn = acc[...]
        centT[...] = cn
        cnorm[...] = jnp.sum(cn * cn, axis=0, keepdims=True)

    @pl.when((c == 0) & ((ph == 2) | (ph == 3)))
    def _():
        cn = acc[...] / (cnt[...] + 1e-16)
        centT[...] = cn
        cnorm[...] = jnp.sum(cn * cn, axis=0, keepdims=True)

    @pl.when((c == 0) & (ph == 4))
    def _():
        means_ref[...] = acc[...] / jnp.maximum(cnt[...], 1.0)

    @pl.when((c == 0) & (ph < 4))
    def _():
        acc[...] = jnp.zeros_like(acc)
        cnt[...] = jnp.zeros_like(cnt)

    X = x_ref[pl.ds(c * _BAND, _BAND), :]

    @pl.when(ph == 0)
    def _():
        w = jnp.where((sy == cf) & (sx == bx), 1.0 / 256.0, 0.0)
        acc[...] += lax.dot_general(X, w, _TN,
                                    preferred_element_type=jnp.float32,
                                    precision=_HI)

    valid = (jnp.abs(sy - cf) <= 1.0) & (jnp.abs(sx - bx) <= 1.0)

    @pl.when((ph == 1) | (ph == 2))
    def _():
        lm = 2.0 * jnp.dot(X, centT[...],
                           preferred_element_type=jnp.float32,
                           precision=_HI) - cnorm[...]
        lm = jnp.where(valid, lm, _NEG)
        m = jnp.max(lm, axis=1, keepdims=True)
        e = jnp.exp(lm - m)
        aff = e / jnp.sum(e, axis=1, keepdims=True)
        acc[...] += lax.dot_general(X, aff, _TN,
                                    preferred_element_type=jnp.float32)
        cnt[...] += jnp.sum(aff, axis=0, keepdims=True)

    @pl.when(ph == 3)
    def _():
        lm = 2.0 * jnp.dot(X, centT[...],
                           preferred_element_type=jnp.float32,
                           precision=_HI) - cnorm[...]
        lm = jnp.where(valid, lm, _NEG)
        m = jnp.max(lm, axis=1, keepdims=True)
        candj = jnp.where(lm >= m, ji, _S)
        labj = jnp.min(candj, axis=1, keepdims=True)
        lab_ref[...] = labj
        onehot = (ji == labj).astype(jnp.float32)
        acc[...] += lax.dot_general(X, onehot, _TN,
                                    preferred_element_type=jnp.float32,
                                    precision=_HI)
        cnt[...] += jnp.sum(onehot, axis=0, keepdims=True)


def _tc_ssn(x_pix):
    return pl.pallas_call(
        _tc_body,
        grid=(4 * _NH + 1,),
        in_specs=[pl.BlockSpec((_N, _C), lambda t: (0, 0))],
        out_specs=[
            pl.BlockSpec((_BAND, 1),
                         lambda t: (jnp.where(t // _NH == 3, t % _NH, _NH), 0)),
            pl.BlockSpec((_C, _S), lambda t: (0, 0)),
        ],
        out_shape=[
            jax.ShapeDtypeStruct(((_NH + 1) * _BAND, 1), jnp.int32),
            jax.ShapeDtypeStruct((_C, _S), jnp.float32),
        ],
        scratch_shapes=[
            pltpu.VMEM((_C, _S), jnp.float32),
            pltpu.VMEM((1, _S), jnp.float32),
            pltpu.VMEM((_C, _S), jnp.float32),
            pltpu.VMEM((1, _S), jnp.float32),
        ],
        compiler_params=pltpu.CompilerParams(
            dimension_semantics=("arbitrary",),
            vmem_limit_bytes=60 * 1024 * 1024,
        ),
    )(x_pix)


def _sc_recolor(table, labels):
    mesh = plsc.VectorSubcoreMesh(core_axis_name="c", subcore_axis_name="s")

    @functools.partial(
        pl.kernel, mesh=mesh,
        out_type=jax.ShapeDtypeStruct((_N, _TD), jnp.float32),
        scratch_types=[
            pltpu.VMEM((_CHUNK,), jnp.int32),
            pltpu.VMEM((_CHUNK, _TD), jnp.float32),
            pltpu.SemaphoreType.DMA,
        ],
    )
    def k(table_hbm, lab_hbm, out_hbm, idx_v, rows_v, sem):
        wid = lax.axis_index("s") * 2 + lax.axis_index("c")
        base = wid * _BPW
        for j in range(_BPW // _CHUNK):
            off = base + j * _CHUNK
            pltpu.sync_copy(lab_hbm.at[pl.ds(off, _CHUNK)], idx_v)
            pltpu.async_copy(table_hbm.at[idx_v], rows_v, sem).wait()
            pltpu.sync_copy(rows_v, out_hbm.at[pl.ds(off, _CHUNK)])

    return k(table, labels)


def kernel(x, stoken_size):
    del stoken_size
    x_pix = x[0].reshape(_C, _N).T
    lab2, meansT = _tc_ssn(x_pix)
    labels = lab2[:_N, 0]
    table = jnp.pad(meansT.T, ((0, 0), (0, _TD - _C)))
    out = _sc_recolor(table, labels)
    return out[:, :_C].T.reshape(1, _C, _H, _W)

# --- scband reference (transcript-rebuilt; emitter-appended) ---
"""Pipeline reference for scband-gen-sp-43636867728097 (READ-ONLY COPY).

The authoritative reference and input builder live on the scoring server;
editing this copy changes nothing except your own understanding.
"""

import jax
import jax.numpy as jnp
import numpy as np

N_ITER = 3


def _ssn_superpixel(x, sh, sw, n_iter):
    B, C, H, W = x.shape
    nh = H // sh
    nw = W // sw
    S = nh * nw
    N = H * W
    # adaptive_avg_pool2d with even division == block mean
    centroids = x.reshape(B, C, nh, H // nh, nw, W // nw).mean(axis=(3, 5))
    spixel = centroids.reshape(B, C, S)
    # nearest-neighbor upsample of the superpixel label grid (torch 'nearest')
    ys = (jnp.arange(H) * nh) // H
    xs = (jnp.arange(W) * nw) // W
    init_label = (ys[:, None] * nw + xs[None, :]).reshape(-1)
    base = jnp.broadcast_to(init_label[None, :], (B, N)).astype(jnp.int32)
    pix = x.reshape(B, C, N)
    dy = jnp.array([-1, -1, -1, 0, 0, 0, 1, 1, 1], dtype=jnp.int32)
    dx = jnp.array([-1, 0, 1, -1, 0, 1, -1, 0, 1], dtype=jnp.int32)
    by = base // nw
    bx = base % nw
    cy = by[:, None, :] + dy[None, :, None]
    cx = bx[:, None, :] + dx[None, :, None]
    valid = (cy >= 0) & (cy < nh) & (cx >= 0) & (cx < nw)
    cand = base[:, None, :] + (dy * nw + dx)[None, :, None]  # (B,9,N)
    cand_safe = jnp.clip(cand, 0, S - 1)
    range_mask = (cand >= 0) & (cand < S)
    scat_idx = jnp.where(range_mask, cand, S)
    b_idx = jnp.arange(B)[:, None, None]
    p_idx = jnp.arange(N)[None, None, :]

    def _affinity(spix_feat):
        dists = []
        for p in range(9):
            idx = jnp.broadcast_to(cand_safe[:, p, None, :], (B, C, N))
            sf = jnp.take_along_axis(spix_feat, idx, axis=2)
            dists.append(((pix - sf) ** 2).sum(axis=1))
        dist = jnp.stack(dists, axis=1)
        dist = jnp.where(valid, dist, 1e16)
        aff = jax.nn.softmax(-dist, axis=1)
        buf = jnp.zeros((B, S + 1, N), dtype=aff.dtype)
        buf = buf.at[b_idx, scat_idx, p_idx].add(aff)
        # torch computes this inside torch.no_grad()
        return jax.lax.stop_gradient(buf[:, :S, :])

    abs_aff = None
    for k in range(n_iter):
        abs_aff = _affinity(spixel)
        if k < n_iter - 1:
            denom = abs_aff.sum(axis=2, keepdims=True) + 1e-16
            sp = jnp.matmul(abs_aff, pix.transpose(0, 2, 1)) / denom
            spixel = sp.transpose(0, 2, 1)

    soft_labels = jnp.argmax(abs_aff, axis=1).reshape(-1, H, W)
    image = jnp.squeeze(x)
    if image.ndim == 4:
        image = image[0]
    if image.ndim < 3:
        image = image[None]
    sel = soft_labels[0].reshape(-1)
    flat = image.reshape(image.shape[0], -1)  # (C, N)
    sums = jax.ops.segment_sum(flat.T, sel, num_segments=S)  # (S, C)
    cnts = jax.ops.segment_sum(jnp.ones((flat.shape[1],), dtype=flat.dtype), sel, num_segments=S)
    means = sums / jnp.maximum(cnts, 1.0)[:, None]
    sp_img = means[sel].T.reshape(image.shape)
    return sp_img[None]


def setup_inputs(seed: int = 0):
    key = jax.random.key(seed)
    x = jax.random.normal(key, (1, 96, 224, 224), dtype=jnp.float32)
    stoken_size = np.array([16, 16], dtype=np.int64)
    return {"x": x, "stoken_size": stoken_size}


def reference(x, stoken_size):
    ss = jnp.asarray(stoken_size).reshape(-1)
    if ss.size == 1:
        sh = sw = 16
    else:
        sh, sw = 16, 16
    x = x + jnp.zeros((), dtype=x.dtype) * ss.sum().astype(x.dtype)
    return _ssn_superpixel(x, sh, sw, N_ITER)

if __name__ == "__main__":
    import jax
    _d = setup_inputs()
    print(jax.jit(kernel)(*tuple(_d.values())))

</pallas_src>

<mosaic_0001>
#map = affine_map<(d0, d1) -> (0, 0)>
#map1 = affine_map<(d0, d1) -> (0)>
module attributes {stable_mosaic.version = 14 : i64} {
  func.func @k(%arg0: i32, %arg1: i32, %arg2: memref<196x128xf32, #tpu.memory_space<hbm>>, %arg3: memref<50176xi32, #tpu.memory_space<hbm>>, %arg4: memref<50176x128xf32, #tpu.memory_space<hbm>>, %arg5: memref<784xi32, #tpu.memory_space<vmem>>, %arg6: memref<784x128xf32, #tpu.memory_space<vmem>>, %arg7: memref<!tpu.dma_semaphore, #tpu.memory_space<semaphore_mem>>) attributes {dimension_semantics = [#tpu.dimension_semantics<core_parallel>, #tpu.dimension_semantics<subcore_parallel>], iteration_bounds = array<i64: 2, 16>, scalar_prefetch = 0 : i64, scratch_operands = 3 : i64, tpu.core_type = #tpu.core_type<sc_vector_subcore>, window_params = [{transform_indices = #map}, {transform_indices = #map1}, {transform_indices = #map}]} {
    %mul3A = arith.constant 2 : i32
    %mul3A_0 = arith.muli %arg1, %mul3A : i32
    %add3A = arith.addi %mul3A_0, %arg0 : i32
    %mul3A_1 = arith.constant 1568 : i32
    %mul3A_2 = arith.muli %add3A, %mul3A_1 : i32
    %add3A_3 = arith.constant 0 : i32
    %add3A_4 = arith.addi %mul3A_2, %add3A_3 : i32
    "tpu.region"() ({
      %run_scoped3A = tpu.sem_alloc : memref<!tpu.dma_semaphore, #tpu.memory_space<semaphore_mem>>
      %dma_start3A_17 = tpu.memref_slice %arg3[%add3A_4] : memref<50176xi32, #tpu.memory_space<hbm>> -> memref<784xi32, #tpu.memory_space<hbm>>
      %dma_start3A_18 = tpu.memref_slice %arg3[%add3A_4] : memref<50176xi32, #tpu.memory_space<hbm>> -> memref<784xi32, #tpu.memory_space<hbm>>
      tpu.enqueue_dma source(%dma_start3A_18 : memref<784xi32, #tpu.memory_space<hbm>>) target(%arg5 : memref<784xi32, #tpu.memory_space<vmem>>) target_semaphore(%run_scoped3A : memref<!tpu.dma_semaphore, #tpu.memory_space<semaphore_mem>>)
      %dma_wait3A_19 = tpu.memref_slice %arg3[%add3A_4] : memref<50176xi32, #tpu.memory_space<hbm>> -> memref<784xi32, #tpu.memory_space<hbm>>
      %dma_wait3A_20 = tpu.memref_slice %arg3[%add3A_4] : memref<50176xi32, #tpu.memory_space<hbm>> -> memref<784xi32, #tpu.memory_space<hbm>>
      tpu.wait_dma2 semaphore(%run_scoped3A : memref<!tpu.dma_semaphore, #tpu.memory_space<semaphore_mem>>) src(%dma_wait3A_20 : memref<784xi32, #tpu.memory_space<hbm>>) dst(%arg5 : memref<784xi32, #tpu.memory_space<vmem>>)
      tpu.yield
    }) : () -> ()
    %dma_start3A = arith.constant 0 : i32
    %dma_start3A_5 = arith.constant 0 : i32
    %dma_start3A_6 = tpu.memref_slice %arg2[%dma_start3A, %dma_start3A_5] : memref<196x128xf32, #tpu.memory_space<hbm>> -> memref<196x128xf32, #tpu.memory_space<hbm>>
    tpu.enqueue_indirect_dma source(%dma_start3A_6 : memref<196x128xf32, #tpu.memory_space<hbm>>) target(%arg6 : memref<784x128xf32, #tpu.memory_space<vmem>>) offsets(%arg5 : memref<784xi32, #tpu.memory_space<vmem>>) semaphore(%arg7 : memref<!tpu.dma_semaphore, #tpu.memory_space<semaphore_mem>>)
    %dma_wait3A = arith.constant 0 : i32
    %dma_wait3A_7 = arith.constant 0 : i32
    %dma_wait3A_8 = tpu.memref_slice %arg2[%dma_wait3A, %dma_wait3A_7] : memref<196x128xf32, #tpu.memory_space<hbm>> -> memref<196x128xf32, #tpu.memory_space<hbm>>
    tpu.wait_indirect_dma semaphore(%arg7 : memref<!tpu.dma_semaphore, #tpu.memory_space<semaphore_mem>>) src(%dma_wait3A_8 : memref<196x128xf32, #tpu.memory_space<hbm>>) dst(%arg6 : memref<784x128xf32, #tpu.memory_space<vmem>>)
    "tpu.region"() ({
      %run_scoped3A = tpu.sem_alloc : memref<!tpu.dma_semaphore, #tpu.memory_space<semaphore_mem>>
      %dma_start3A_17 = arith.constant 0 : i32
      %dma_start3A_18 = tpu.memref_slice %arg4[%add3A_4, %dma_start3A_17] : memref<50176x128xf32, #tpu.memory_space<hbm>> -> memref<784x128xf32, #tpu.memory_space<hbm>>
      %dma_start3A_19 = arith.constant 0 : i32
      %dma_start3A_20 = tpu.memref_slice %arg4[%add3A_4, %dma_start3A_19] : memref<50176x128xf32, #tpu.memory_space<hbm>> -> memref<784x128xf32, #tpu.memory_space<hbm>>
      tpu.enqueue_dma source(%arg6 : memref<784x128xf32, #tpu.memory_space<vmem>>) target(%dma_start3A_20 : memref<784x128xf32, #tpu.memory_space<hbm>>) target_semaphore(%run_scoped3A : memref<!tpu.dma_semaphore, #tpu.memory_space<semaphore_mem>>)
      %dma_wait3A_21 = arith.constant 0 : i32
      %dma_wait3A_22 = tpu.memref_slice %arg4[%add3A_4, %dma_wait3A_21] : memref<50176x128xf32, #tpu.memory_space<hbm>> -> memref<784x128xf32, #tpu.memory_space<hbm>>
      %dma_wait3A_23 = arith.constant 0 : i32
      %dma_wait3A_24 = tpu.memref_slice %arg4[%add3A_4, %dma_wait3A_23] : memref<50176x128xf32, #tpu.memory_space<hbm>> -> memref<784x128xf32, #tpu.memory_space<hbm>>
      tpu.wait_dma2 semaphore(%run_scoped3A : memref<!tpu.dma_semaphore, #tpu.memory_space<semaphore_mem>>) src(%arg6 : memref<784x128xf32, #tpu.memory_space<vmem>>) dst(%dma_wait3A_24 : memref<784x128xf32, #tpu.memory_space<hbm>>)
      tpu.yield
    }) : () -> ()
    %add3A_9 = arith.constant 784 : i32
    %add3A_10 = arith.addi %mul3A_2, %add3A_9 : i32
    "tpu.region"() ({
      %run_scoped3A = tpu.sem_alloc : memref<!tpu.dma_semaphore, #tpu.memory_space<semaphore_mem>>
      %dma_start3A_17 = tpu.memref_slice %arg3[%add3A_10] : memref<50176xi32, #tpu.memory_space<hbm>> -> memref<784xi32, #tpu.memory_space<hbm>>
      %dma_start3A_18 = tpu.memref_slice %arg3[%add3A_10] : memref<50176xi32, #tpu.memory_space<hbm>> -> memref<784xi32, #tpu.memory_space<hbm>>
      tpu.enqueue_dma source(%dma_start3A_18 : memref<784xi32, #tpu.memory_space<hbm>>) target(%arg5 : memref<784xi32, #tpu.memory_space<vmem>>) target_semaphore(%run_scoped3A : memref<!tpu.dma_semaphore, #tpu.memory_space<semaphore_mem>>)
      %dma_wait3A_19 = tpu.memref_slice %arg3[%add3A_10] : memref<50176xi32, #tpu.memory_space<hbm>> -> memref<784xi32, #tpu.memory_space<hbm>>
      %dma_wait3A_20 = tpu.memref_slice %arg3[%add3A_10] : memref<50176xi32, #tpu.memory_space<hbm>> -> memref<784xi32, #tpu.memory_space<hbm>>
      tpu.wait_dma2 semaphore(%run_scoped3A : memref<!tpu.dma_semaphore, #tpu.memory_space<semaphore_mem>>) src(%dma_wait3A_20 : memref<784xi32, #tpu.memory_space<hbm>>) dst(%arg5 : memref<784xi32, #tpu.memory_space<vmem>>)
      tpu.yield
    }) : () -> ()
    %dma_start3A_11 = arith.constant 0 : i32
    %dma_start3A_12 = arith.constant 0 : i32
    %dma_start3A_13 = tpu.memref_slice %arg2[%dma_start3A_11, %dma_start3A_12] : memref<196x128xf32, #tpu.memory_space<hbm>> -> memref<196x128xf32, #tpu.memory_space<hbm>>
    tpu.enqueue_indirect_dma source(%dma_start3A_13 : memref<196x128xf32, #tpu.memory_space<hbm>>) target(%arg6 : memref<784x128xf32, #tpu.memory_space<vmem>>) offsets(%arg5 : memref<784xi32, #tpu.memory_space<vmem>>) semaphore(%arg7 : memref<!tpu.dma_semaphore, #tpu.memory_space<semaphore_mem>>)
    %dma_wait3A_14 = arith.constant 0 : i32
    %dma_wait3A_15 = arith.constant 0 : i32
    %dma_wait3A_16 = tpu.memref_slice %arg2[%dma_wait3A_14, %dma_wait3A_15] : memref<196x128xf32, #tpu.memory_space<hbm>> -> memref<196x128xf32, #tpu.memory_space<hbm>>
    tpu.wait_indirect_dma semaphore(%arg7 : memref<!tpu.dma_semaphore, #tpu.memory_space<semaphore_mem>>) src(%dma_wait3A_16 : memref<196x128xf32, #tpu.memory_space<hbm>>) dst(%arg6 : memref<784x128xf32, #tpu.memory_space<vmem>>)
    "tpu.region"() ({
      %run_scoped3A = tpu.sem_alloc : memref<!tpu.dma_semaphore, #tpu.memory_space<semaphore_mem>>
      %dma_start3A_17 = arith.constant 0 : i32
      %dma_start3A_18 = tpu.memref_slice %arg4[%add3A_10, %dma_start3A_17] : memref<50176x128xf32, #tpu.memory_space<hbm>> -> memref<784x128xf32, #tpu.memory_space<hbm>>
      %dma_start3A_19 = arith.constant 0 : i32
      %dma_start3A_20 = tpu.memref_slice %arg4[%add3A_10, %dma_start3A_19] : memref<50176x128xf32, #tpu.memory_space<hbm>> -> memref<784x128xf32, #tpu.memory_space<hbm>>
      tpu.enqueue_dma source(%arg6 : memref<784x128xf32, #tpu.memory_space<vmem>>) target(%dma_start3A_20 : memref<784x128xf32, #tpu.memory_space<hbm>>) target_semaphore(%run_scoped3A : memref<!tpu.dma_semaphore, #tpu.memory_space<semaphore_mem>>)
      %dma_wait3A_21 = arith.constant 0 : i32
      %dma_wait3A_22 = tpu.memref_slice %arg4[%add3A_10, %dma_wait3A_21] : memref<50176x128xf32, #tpu.memory_space<hbm>> -> memref<784x128xf32, #tpu.memory_space<hbm>>
      %dma_wait3A_23 = arith.constant 0 : i32
      %dma_wait3A_24 = tpu.memref_slice %arg4[%add3A_10, %dma_wait3A_23] : memref<50176x128xf32, #tpu.memory_space<hbm>> -> memref<784x128xf32, #tpu.memory_space<hbm>>
      tpu.wait_dma2 semaphore(%run_scoped3A : memref<!tpu.dma_semaphore, #tpu.memory_space<semaphore_mem>>) src(%arg6 : memref<784x128xf32, #tpu.memory_space<vmem>>) dst(%dma_wait3A_24 : memref<784x128xf32, #tpu.memory_space<hbm>>)
      tpu.yield
    }) : () -> ()
    return
  }
}

module attributes {stable_mosaic.version = 14 : i64} {
  func.func @_tc_body(%arg0: i32, %arg1: memref<50176x96xf32, #tpu.memory_space<vmem>>, %arg2: memref<3584x1xi32, #tpu.memory_space<vmem>>, %arg3: memref<96x196xf32, #tpu.memory_space<vmem>>, %arg4: memref<96x196xf32, #tpu.memory_space<vmem>>, %arg5: memref<1x196xf32, #tpu.memory_space<vmem>>, %arg6: memref<96x196xf32, #tpu.memory_space<vmem>>, %arg7: memref<1x196xf32, #tpu.memory_space<vmem>>) attributes {dimension_semantics = [#tpu.dimension_semantics<arbitrary>], iteration_bounds = array<i64: 57>, scalar_prefetch = 0 : i64, scratch_operands = 4 : i64, tpu.core_type = #tpu.core_type<tc>, window_params = [{pipeline_mode = #tpu.pipeline_mode<synchronous>, transform_indices = @transform_0, window_bounds = array<i64: 50176, 96>}, {transform_indices = @transform_1, window_bounds = array<i64: 3584, 1>}, {pipeline_mode = #tpu.pipeline_mode<synchronous>, transform_indices = @transform_2, window_bounds = array<i64: 96, 196>}]} {
    %jit3A = arith.constant 14 : i32
    %div3A = arith.divsi %arg0, %jit3A : i32
    %sign3A = arith.constant 0 : i32
    %sign3A_0 = arith.cmpi sgt, %arg0, %sign3A : i32
    %sign3A_1 = arith.extui %sign3A_0 : i1 to i32
    %sign3A_2 = arith.constant 0 : i32
    %sign3A_3 = arith.cmpi slt, %arg0, %sign3A_2 : i32
    %sign3A_4 = arith.extui %sign3A_3 : i1 to i32
    %sign3A_5 = arith.subi %sign3A_1, %sign3A_4 : i32
    %sign3A_6 = arith.constant 0 : i32
    %sign3A_7 = arith.cmpi sgt, %jit3A, %sign3A_6 : i32
    %sign3A_8 = arith.extui %sign3A_7 : i1 to i32
    %sign3A_9 = arith.constant 0 : i32
    %sign3A_10 = arith.cmpi slt, %jit3A, %sign3A_9 : i32
    %sign3A_11 = arith.extui %sign3A_10 : i1 to i32
    %sign3A_12 = arith.subi %sign3A_8, %sign3A_11 : i32
    %ne3A = arith.cmpi ne, %sign3A_5, %sign3A_12 : i32
    %rem3A = arith.remsi %arg0, %jit3A : i32
    %ne3A_13 = arith.constant 0 : i32
    %ne3A_14 = arith.cmpi ne, %rem3A, %ne3A_13 : i32
    %and3A = arith.andi %ne3A, %ne3A_14 : i1
    %sub3A = arith.constant 1 : i32
    %sub3A_15 = arith.subi %div3A, %sub3A : i32
    %select_n3A = arith.select %and3A, %sub3A_15, %div3A : i32
    %jit3A_16 = arith.constant 14 : i32
    %eq3A = arith.constant 0 : i32
    %eq3A_17 = arith.cmpi eq, %jit3A_16, %eq3A : i32
    %jit3A_18 = arith.constant 1 : i32
    %select_n3A_19 = arith.select %eq3A_17, %jit3A_18, %jit3A_16 : i32
    %rem3A_20 = arith.remsi %arg0, %select_n3A_19 : i32
    %ne3A_21 = arith.constant 0 : i32
    %ne3A_22 = arith.cmpi ne, %rem3A_20, %ne3A_21 : i32
    %lt3A = arith.constant 0 : i32
    %lt3A_23 = arith.cmpi slt, %rem3A_20, %lt3A : i32
    %lt3A_24 = arith.constant 0 : i32
    %lt3A_25 = arith.cmpi slt, %select_n3A_19, %lt3A_24 : i32
    %ne3A_26 = arith.xori %lt3A_23, %lt3A_25 : i1
    %and3A_27 = arith.andi %ne3A_26, %ne3A_22 : i1
    %add3A = arith.addi %rem3A_20, %select_n3A_19 : i32
    %select_n3A_28 = arith.select %and3A_27, %add3A, %rem3A_20 : i32
    %iota3A = tpu.iota {dimensions = array<i32: 0>} : vector<3584x196xi32>
    %iota3A_29 = tpu.iota {dimensions = array<i32: 1>} : vector<3584x196xi32>
    %convert_element_type3A = arith.sitofp %iota3A : vector<3584x196xi32> to vector<3584x196xf32>
    %convert_element_type3A_30 = arith.sitofp %iota3A_29 : vector<3584x196xi32> to vector<3584x196xf32>
    %mul3A = arith.constant 6.250000e-02 : f32
    %mul3A_31 = vector.broadcast %mul3A : f32 to vector<3584x196xf32>
    %mul3A_32 = arith.mulf %convert_element_type3A, %mul3A_31 : vector<3584x196xf32>
    %floor3A = math.floor %mul3A_32 : vector<3584x196xf32>
    %add3A_33 = arith.constant 5.000000e-01 : f32
    %add3A_34 = vector.broadcast %add3A_33 : f32 to vector<3584x196xf32>
    %add3A_35 = arith.addf %floor3A, %add3A_34 : vector<3584x196xf32>
    %mul3A_36 = arith.constant 0.0714285746 : f32
    %mul3A_37 = vector.broadcast %mul3A_36 : f32 to vector<3584x196xf32>
    %mul3A_38 = arith.mulf %add3A_35, %mul3A_37 : vector<3584x196xf32>
    %floor3A_39 = math.floor %mul3A_38 : vector<3584x196xf32>
    %mul3A_40 = arith.constant 1.400000e+01 : f32
    %mul3A_41 = vector.broadcast %mul3A_40 : f32 to vector<3584x196xf32>
    %mul3A_42 = arith.mulf %mul3A_41, %floor3A_39 : vector<3584x196xf32>
    %sub3A_43 = arith.subf %floor3A, %mul3A_42 : vector<3584x196xf32>
    %add3A_44 = arith.constant 5.000000e-01 : f32
    %add3A_45 = vector.broadcast %add3A_44 : f32 to vector<3584x196xf32>
    %add3A_46 = arith.addf %convert_element_type3A_30, %add3A_45 : vector<3584x196xf32>
    %mul3A_47 = arith.constant 0.0714285746 : f32
    %mul3A_48 = vector.broadcast %mul3A_47 : f32 to vector<3584x196xf32>
    %mul3A_49 = arith.mulf %add3A_46, %mul3A_48 : vector<3584x196xf32>
    %floor3A_50 = math.floor %mul3A_49 : vector<3584x196xf32>
    %mul3A_51 = arith.constant 1.400000e+01 : f32
    %mul3A_52 = vector.broadcast %mul3A_51 : f32 to vector<3584x196xf32>
    %mul3A_53 = arith.mulf %mul3A_52, %floor3A_50 : vector<3584x196xf32>
    %sub3A_54 = arith.subf %convert_element_type3A_30, %mul3A_53 : vector<3584x196xf32>
    %convert_element_type3A_55 = arith.sitofp %select_n3A_28 : i32 to f32
    %eq3A_56 = arith.constant 0 : i32
    %eq3A_57 = arith.cmpi eq, %select_n3A_28, %eq3A_56 : i32
    %eq3A_58 = arith.constant 1 : i32
    %eq3A_59 = arith.cmpi eq, %select_n3A, %eq3A_58 : i32
    %and3A_60 = arith.andi %eq3A_57, %eq3A_59 : i1
    %convert_element_type3A_61 = arith.extui %and3A_60 : i1 to i32
    %cond3A = arith.constant 0 : i32
    %cond3A_62 = arith.cmpi ne, %convert_element_type3A_61, %cond3A : i32
    scf.if %cond3A_62 {
      %get3A_121 = arith.constant 0 : index
      %get3A_122 = arith.constant 0 : index
      %get3A_123 = vector.load %arg6[%get3A_121, %get3A_122] : memref<96x196xf32, #tpu.memory_space<vmem>>, vector<96x196xf32>
      %swap3A = arith.constant 0 : index
      %swap3A_124 = arith.constant 0 : index
      %swap3A_125 = vector.load %arg4[%swap3A, %swap3A_124] : memref<96x196xf32, #tpu.memory_space<vmem>>, vector<96x196xf32>
      tpu.vector_store %arg4[%swap3A, %swap3A_124], %get3A_123 {strides = array<i32>} : memref<96x196xf32, #tpu.memory_space<vmem>>, vector<96x196xf32>,
      %mul3A_126 = arith.mulf %get3A_123, %get3A_123 : vector<96x196xf32>
      %reduce_sum3A = arith.constant dense<0.000000e+00> : vector<196xf32>
      %reduce_sum3A_127 = vector.multi_reduction <add>, %mul3A_126, %reduce_sum3A [0] : vector<96x196xf32> to vector<196xf32>
      %broadcast_in_dim3A = vector.shape_cast %reduce_sum3A_127 : vector<196xf32> to vector<1x196xf32>
      %swap3A_128 = arith.constant 0 : index
      %swap3A_129 = arith.constant 0 : index
      %swap3A_130 = vector.load %arg5[%swap3A_128, %swap3A_129] : memref<1x196xf32, #tpu.memory_space<vmem>>, vector<1x196xf32>
      tpu.vector_store %arg5[%swap3A_128, %swap3A_129], %broadcast_in_dim3A {strides = array<i32>} : memref<1x196xf32, #tpu.memory_space<vmem>>, vector<1x196xf32>,
    } else {
    }
    %eq3A_63 = arith.constant 0 : i32
    %eq3A_64 = arith.cmpi eq, %select_n3A_28, %eq3A_63 : i32
    %eq3A_65 = arith.constant 2 : i32
    %eq3A_66 = arith.cmpi eq, %select_n3A, %eq3A_65 : i32
    %eq3A_67 = arith.constant 3 : i32
    %eq3A_68 = arith.cmpi eq, %select_n3A, %eq3A_67 : i32
    %or3A = arith.ori %eq3A_66, %eq3A_68 : i1
    %and3A_69 = arith.andi %eq3A_64, %or3A : i1
    %convert_element_type3A_70 = arith.extui %and3A_69 : i1 to i32
    %cond3A_71 = arith.constant 0 : i32
    %cond3A_72 = arith.cmpi ne, %convert_element_type3A_70, %cond3A_71 : i32
    scf.if %cond3A_72 {
      %get3A_121 = arith.constant 0 : index
      %get3A_122 = arith.constant 0 : index
      %get3A_123 = vector.load %arg6[%get3A_121, %get3A_122] : memref<96x196xf32, #tpu.memory_space<vmem>>, vector<96x196xf32>
      %get3A_124 = arith.constant 0 : index
      %get3A_125 = arith.constant 0 : index
      %get3A_126 = vector.load %arg7[%get3A_124, %get3A_125] : memref<1x196xf32, #tpu.memory_space<vmem>>, vector<1x196xf32>
      %add3A_127 = arith.constant 1.000000e-16 : f32
      %add3A_128 = vector.broadcast %add3A_127 : f32 to vector<1x196xf32>
      %add3A_129 = arith.addf %get3A_126, %add3A_128 : vector<1x196xf32>
      %div3A_130 = vector.broadcast %add3A_129 : vector<1x196xf32> to vector<96x196xf32>
      %div3A_131 = arith.divf %get3A_123, %div3A_130 : vector<96x196xf32>
      %swap3A = arith.constant 0 : index
      %swap3A_132 = arith.constant 0 : index
      %swap3A_133 = vector.load %arg4[%swap3A, %swap3A_132] : memref<96x196xf32, #tpu.memory_space<vmem>>, vector<96x196xf32>
      tpu.vector_store %arg4[%swap3A, %swap3A_132], %div3A_131 {strides = array<i32>} : memref<96x196xf32, #tpu.memory_space<vmem>>, vector<96x196xf32>,
      %mul3A_134 = arith.mulf %div3A_131, %div3A_131 : vector<96x196xf32>
      %reduce_sum3A = arith.constant dense<0.000000e+00> : vector<196xf32>
      %reduce_sum3A_135 = vector.multi_reduction <add>, %mul3A_134, %reduce_sum3A [0] : vector<96x196xf32> to vector<196xf32>
      %broadcast_in_dim3A = vector.shape_cast %reduce_sum3A_135 : vector<196xf32> to vector<1x196xf32>
      %swap3A_136 = arith.constant 0 : index
      %swap3A_137 = arith.constant 0 : index
      %swap3A_138 = vector.load %arg5[%swap3A_136, %swap3A_137] : memref<1x196xf32, #tpu.memory_space<vmem>>, vector<1x196xf32>
      tpu.vector_store %arg5[%swap3A_136, %swap3A_137], %broadcast_in_dim3A {strides = array<i32>} : memref<1x196xf32, #tpu.memory_space<vmem>>, vector<1x196xf32>,
    } else {
    }
    %eq3A_73 = arith.constant 0 : i32
    %eq3A_74 = arith.cmpi eq, %select_n3A_28, %eq3A_73 : i32
    %eq3A_75 = arith.constant 4 : i32
    %eq3A_76 = arith.cmpi eq, %select_n3A, %eq3A_75 : i32
    %and3A_77 = arith.andi %eq3A_74, %eq3A_76 : i1
    %convert_element_type3A_78 = arith.extui %and3A_77 : i1 to i32
    %cond3A_79 = arith.constant 0 : i32
    %cond3A_80 = arith.cmpi ne, %convert_element_type3A_78, %cond3A_79 : i32
    scf.if %cond3A_80 {
      %get3A_121 = arith.constant 0 : index
      %get3A_122 = arith.constant 0 : index
      %get3A_123 = vector.load %arg6[%get3A_121, %get3A_122] : memref<96x196xf32, #tpu.memory_space<vmem>>, vector<96x196xf32>
      %get3A_124 = arith.constant 0 : index
      %get3A_125 = arith.constant 0 : index
      %get3A_126 = vector.load %arg7[%get3A_124, %get3A_125] : memref<1x196xf32, #tpu.memory_space<vmem>>, vector<1x196xf32>
      %max3A = arith.constant 1.000000e+00 : f32
      %max3A_127 = vector.broadcast %max3A : f32 to vector<1x196xf32>
      %max3A_128 = arith.maximumf %get3A_126, %max3A_127 : vector<1x196xf32>
      %div3A_129 = vector.broadcast %max3A_128 : vector<1x196xf32> to vector<96x196xf32>
      %div3A_130 = arith.divf %get3A_123, %div3A_129 : vector<96x196xf32>
      %swap3A = arith.constant 0 : index
      %swap3A_131 = arith.constant 0 : index
      %swap3A_132 = vector.load %arg3[%swap3A, %swap3A_131] : memref<96x196xf32, #tpu.memory_space<vmem>>, vector<96x196xf32>
      tpu.vector_store %arg3[%swap3A, %swap3A_131], %div3A_130 {strides = array<i32>} : memref<96x196xf32, #tpu.memory_space<vmem>>, vector<96x196xf32>,
    } else {
    }
    %eq3A_81 = arith.constant 0 : i32
    %eq3A_82 = arith.cmpi eq, %select_n3A_28, %eq3A_81 : i32
    %lt3A_83 = arith.constant 4 : i32
    %lt3A_84 = arith.cmpi slt, %select_n3A, %lt3A_83 : i32
    %and3A_85 = arith.andi %eq3A_82, %lt3A_84 : i1
    %convert_element_type3A_86 = arith.extui %and3A_85 : i1 to i32
    %cond3A_87 = arith.constant 0 : i32
    %cond3A_88 = arith.cmpi ne, %convert_element_type3A_86, %cond3A_87 : i32
    scf.if %cond3A_88 {
      %broadcast_in_dim3A = arith.constant 0.000000e+00 : f32
      %broadcast_in_dim3A_121 = vector.broadcast %broadcast_in_dim3A : f32 to vector<96x196xf32>
      %swap3A = arith.constant 0 : index
      %swap3A_122 = arith.constant 0 : index
      %swap3A_123 = vector.load %arg6[%swap3A, %swap3A_122] : memref<96x196xf32, #tpu.memory_space<vmem>>, vector<96x196xf32>
      tpu.vector_store %arg6[%swap3A, %swap3A_122], %broadcast_in_dim3A_121 {strides = array<i32>} : memref<96x196xf32, #tpu.memory_space<vmem>>, vector<96x196xf32>,
      %broadcast_in_dim3A_124 = arith.constant 0.000000e+00 : f32
      %broadcast_in_dim3A_125 = vector.broadcast %broadcast_in_dim3A_124 : f32 to vector<1x196xf32>
      %swap3A_126 = arith.constant 0 : index
      %swap3A_127 = arith.constant 0 : index
      %swap3A_128 = vector.load %arg7[%swap3A_126, %swap3A_127] : memref<1x196xf32, #tpu.memory_space<vmem>>, vector<1x196xf32>
      tpu.vector_store %arg7[%swap3A_126, %swap3A_127], %broadcast_in_dim3A_125 {strides = array<i32>} : memref<1x196xf32, #tpu.memory_space<vmem>>, vector<1x196xf32>,
    } else {
    }
    %mul3A_89 = arith.constant 3584 : i32
    %mul3A_90 = arith.muli %select_n3A_28, %mul3A_89 : i32
    %get3A = arith.index_cast %mul3A_90 : i32 to index
    %get3A_91 = arith.constant 0 : index
    %get3A_92 = vector.load %arg1[%get3A, %get3A_91] : memref<50176x96xf32, #tpu.memory_space<vmem>>, vector<3584x96xf32>
    %eq3A_93 = arith.constant 0 : i32
    %eq3A_94 = arith.cmpi eq, %select_n3A, %eq3A_93 : i32
    %convert_element_type3A_95 = arith.extui %eq3A_94 : i1 to i32
    %cond3A_96 = arith.constant 0 : i32
    %cond3A_97 = arith.cmpi ne, %convert_element_type3A_95, %cond3A_96 : i32
    scf.if %cond3A_97 {
      %eq3A_121 = vector.broadcast %convert_element_type3A_55 : f32 to vector<3584x196xf32>
      %eq3A_122 = arith.cmpf oeq, %floor3A_50, %eq3A_121 : vector<3584x196xf32>
      %eq3A_123 = arith.cmpf oeq, %sub3A_54, %sub3A_43 : vector<3584x196xf32>
      %and3A_124 = arith.andi %eq3A_122, %eq3A_123 : vector<3584x196xi1>
      %jit3A_125 = arith.constant 3.906250e-03 : f32
      %jit3A_126 = arith.constant 0.000000e+00 : f32
      %broadcast_in_dim3A = vector.broadcast %jit3A_125 : f32 to vector<3584x196xf32>
      %broadcast_in_dim3A_127 = vector.broadcast %jit3A_126 : f32 to vector<3584x196xf32>
      %select_n3A_128 = arith.select %and3A_124, %broadcast_in_dim3A, %broadcast_in_dim3A_127 : vector<3584x196xi1>, vector<3584x196xf32>
      %get3A_129 = arith.constant 0 : index
      %get3A_130 = arith.constant 0 : index
      %get3A_131 = vector.load %arg6[%get3A_129, %get3A_130] : memref<96x196xf32, #tpu.memory_space<vmem>>, vector<96x196xf32>
      %dot_general3A = arith.constant dense<0.000000e+00> : vector<96x196xf32>
      %dot_general3A_132 = tpu.matmul %get3A_92, %select_n3A_128, %dot_general3A {dimension_numbers = #tpu.dot_dimension_numbers<[0], [0], [1], [1], [0, 1, 1, 1], [], []>, precision = #tpu.contract_precision<fp32>, transpose_lhs_hint = false} : vector<3584x96xf32>, vector<3584x196xf32>, vector<96x196xf32> -> vector<96x196xf32>
      %add3A_133 = arith.addf %get3A_131, %dot_general3A_132 : vector<96x196xf32>
      %swap3A = arith.constant 0 : index
      %swap3A_134 = arith.constant 0 : index
      %swap3A_135 = vector.load %arg6[%swap3A, %swap3A_134] : memref<96x196xf32, #tpu.memory_space<vmem>>, vector<96x196xf32>
      tpu.vector_store %arg6[%swap3A, %swap3A_134], %add3A_133 {strides = array<i32>} : memref<96x196xf32, #tpu.memory_space<vmem>>, vector<96x196xf32>,
    } else {
    }
    %sub3A_98 = vector.broadcast %convert_element_type3A_55 : f32 to vector<3584x196xf32>
    %sub3A_99 = arith.subf %floor3A_50, %sub3A_98 : vector<3584x196xf32>
    %abs3A = math.absf %sub3A_99 : vector<3584x196xf32>
    %le3A = arith.constant 1.000000e+00 : f32
    %le3A_100 = vector.broadcast %le3A : f32 to vector<3584x196xf32>
    %le3A_101 = arith.cmpf ole, %abs3A, %le3A_100 : vector<3584x196xf32>
    %sub3A_102 = arith.subf %sub3A_54, %sub3A_43 : vector<3584x196xf32>
    %abs3A_103 = math.absf %sub3A_102 : vector<3584x196xf32>
    %le3A_104 = arith.constant 1.000000e+00 : f32
    %le3A_105 = vector.broadcast %le3A_104 : f32 to vector<3584x196xf32>
    %le3A_106 = arith.cmpf ole, %abs3A_103, %le3A_105 : vector<3584x196xf32>
    %and3A_107 = arith.andi %le3A_101, %le3A_106 : vector<3584x196xi1>
    %eq3A_108 = arith.constant 1 : i32
    %eq3A_109 = arith.cmpi eq, %select_n3A, %eq3A_108 : i32
    %eq3A_110 = arith.constant 2 : i32
    %eq3A_111 = arith.cmpi eq, %select_n3A, %eq3A_110 : i32
    %or3A_112 = arith.ori %eq3A_109, %eq3A_111 : i1
    %convert_element_type3A_113 = arith.extui %or3A_112 : i1 to i32
    %cond3A_114 = arith.constant 0 : i32
    %cond3A_115 = arith.cmpi ne, %convert_element_type3A_113, %cond3A_114 : i32
    scf.if %cond3A_115 {
      %get3A_121 = arith.constant 0 : index
      %get3A_122 = arith.constant 0 : index
      %get3A_123 = vector.load %arg4[%get3A_121, %get3A_122] : memref<96x196xf32, #tpu.memory_space<vmem>>, vector<96x196xf32>
      %dot_general3A = arith.constant dense<0.000000e+00> : vector<3584x196xf32>
      %dot_general3A_124 = tpu.matmul %get3A_92, %get3A_123, %dot_general3A {dimension_numbers = #tpu.dot_dimension_numbers<[1], [0], [0], [1], [0, 0, 1, 1], [], []>, precision = #tpu.contract_precision<fp32>, transpose_lhs_hint = false} : vector<3584x96xf32>, vector<96x196xf32>, vector<3584x196xf32> -> vector<3584x196xf32>
      %mul3A_125 = arith.constant 2.000000e+00 : f32
      %mul3A_126 = vector.broadcast %mul3A_125 : f32 to vector<3584x196xf32>
      %mul3A_127 = arith.mulf %mul3A_126, %dot_general3A_124 : vector<3584x196xf32>
      %get3A_128 = arith.constant 0 : index
      %get3A_129 = arith.constant 0 : index
      %get3A_130 = vector.load %arg5[%get3A_128, %get3A_129] : memref<1x196xf32, #tpu.memory_space<vmem>>, vector<1x196xf32>
      %sub3A_131 = vector.broadcast %get3A_130 : vector<1x196xf32> to vector<3584x196xf32>
      %sub3A_132 = arith.subf %mul3A_127, %sub3A_131 : vector<3584x196xf32>
      %jit3A_133 = arith.constant -1.000000e+30 : f32
      %broadcast_in_dim3A = vector.broadcast %jit3A_133 : f32 to vector<3584x196xf32>
      %select_n3A_134 = arith.select %and3A_107, %sub3A_132, %broadcast_in_dim3A : vector<3584x196xi1>, vector<3584x196xf32>
      %reduce_max3A = arith.constant dense<0xFF800000> : vector<3584xf32>
      %reduce_max3A_135 = vector.multi_reduction <maximumf>, %select_n3A_134, %reduce_max3A [1] : vector<3584x196xf32> to vector<3584xf32>
      %broadcast_in_dim3A_136 = vector.shape_cast %reduce_max3A_135 : vector<3584xf32> to vector<3584x1xf32>
      %sub3A_137 = vector.broadcast %broadcast_in_dim3A_136 : vector<3584x1xf32> to vector<3584x196xf32>
      %sub3A_138 = arith.subf %select_n3A_134, %sub3A_137 : vector<3584x196xf32>
      %exp3A = math.exp %sub3A_138 : vector<3584x196xf32>
      %reduce_sum3A = arith.constant dense<0.000000e+00> : vector<3584xf32>
      %reduce_sum3A_139 = vector.multi_reduction <add>, %exp3A, %reduce_sum3A [1] : vector<3584x196xf32> to vector<3584xf32>
      %broadcast_in_dim3A_140 = vector.shape_cast %reduce_sum3A_139 : vector<3584xf32> to vector<3584x1xf32>
      %div3A_141 = vector.broadcast %broadcast_in_dim3A_140 : vector<3584x1xf32> to vector<3584x196xf32>
      %div3A_142 = arith.divf %exp3A, %div3A_141 : vector<3584x196xf32>
      %get3A_143 = arith.constant 0 : index
      %get3A_144 = arith.constant 0 : index
      %get3A_145 = vector.load %arg6[%get3A_143, %get3A_144] : memref<96x196xf32, #tpu.memory_space<vmem>>, vector<96x196xf32>
      %dot_general3A_146 = arith.constant dense<0.000000e+00> : vector<96x196xf32>
      %dot_general3A_147 = tpu.matmul %get3A_92, %div3A_142, %dot_general3A_146 {dimension_numbers = #tpu.dot_dimension_numbers<[0], [0], [1], [1], [0, 1, 1, 1], [], []>, transpose_lhs_hint = false} : vector<3584x96xf32>, vector<3584x196xf32>, vector<96x196xf32> -> vector<96x196xf32>
      %add3A_148 = arith.addf %get3A_145, %dot_general3A_147 : vector<96x196xf32>
      %swap3A = arith.constant 0 : index
      %swap3A_149 = arith.constant 0 : index
      %swap3A_150 = vector.load %arg6[%swap3A, %swap3A_149] : memref<96x196xf32, #tpu.memory_space<vmem>>, vector<96x196xf32>
      tpu.vector_store %arg6[%swap3A, %swap3A_149], %add3A_148 {strides = array<i32>} : memref<96x196xf32, #tpu.memory_space<vmem>>, vector<96x196xf32>,
      %get3A_151 = arith.constant 0 : index
      %get3A_152 = arith.constant 0 : index
      %get3A_153 = vector.load %arg7[%get3A_151, %get3A_152] : memref<1x196xf32, #tpu.memory_space<vmem>>, vector<1x196xf32>
      %reduce_sum3A_154 = arith.constant dense<0.000000e+00> : vector<196xf32>
      %reduce_sum3A_155 = vector.multi_reduction <add>, %div3A_142, %reduce_sum3A_154 [0] : vector<3584x196xf32> to vector<196xf32>
      %broadcast_in_dim3A_156 = vector.shape_cast %reduce_sum3A_155 : vector<196xf32> to vector<1x196xf32>
      %add3A_157 = arith.addf %get3A_153, %broadcast_in_dim3A_156 : vector<1x196xf32>
      %swap3A_158 = arith.constant 0 : index
      %swap3A_159 = arith.constant 0 : index
      %swap3A_160 = vector.load %arg7[%swap3A_158, %swap3A_159] : memref<1x196xf32, #tpu.memory_space<vmem>>, vector<1x196xf32>
      tpu.vector_store %arg7[%swap3A_158, %swap3A_159], %add3A_157 {strides = array<i32>} : memref<1x196xf32, #tpu.memory_space<vmem>>, vector<1x196xf32>,
    } else {
    }
    %eq3A_116 = arith.constant 3 : i32
    %eq3A_117 = arith.cmpi eq, %select_n3A, %eq3A_116 : i32
    %convert_element_type3A_118 = arith.extui %eq3A_117 : i1 to i32
    %cond3A_119 = arith.constant 0 : i32
    %cond3A_120 = arith.cmpi ne, %convert_element_type3A_118, %cond3A_119 : i32
    scf.if %cond3A_120 {
      %get3A_121 = arith.constant 0 : index
      %get3A_122 = arith.constant 0 : index
      %get3A_123 = vector.load %arg4[%get3A_121, %get3A_122] : memref<96x196xf32, #tpu.memory_space<vmem>>, vector<96x196xf32>
      %dot_general3A = arith.constant dense<0.000000e+00> : vector<3584x196xf32>
      %dot_general3A_124 = tpu.matmul %get3A_92, %get3A_123, %dot_general3A {dimension_numbers = #tpu.dot_dimension_numbers<[1], [0], [0], [1], [0, 0, 1, 1], [], []>, precision = #tpu.contract_precision<fp32>, transpose_lhs_hint = false} : vector<3584x96xf32>, vector<96x196xf32>, vector<3584x196xf32> -> vector<3584x196xf32>
      %mul3A_125 = arith.constant 2.000000e+00 : f32
      %mul3A_126 = vector.broadcast %mul3A_125 : f32 to vector<3584x196xf32>
      %mul3A_127 = arith.mulf %mul3A_126, %dot_general3A_124 : vector<3584x196xf32>
      %get3A_128 = arith.constant 0 : index
      %get3A_129 = arith.constant 0 : index
      %get3A_130 = vector.load %arg5[%get3A_128, %get3A_129] : memref<1x196xf32, #tpu.memory_space<vmem>>, vector<1x196xf32>
      %sub3A_131 = vector.broadcast %get3A_130 : vector<1x196xf32> to vector<3584x196xf32>
      %sub3A_132 = arith.subf %mul3A_127, %sub3A_131 : vector<3584x196xf32>
      %jit3A_133 = arith.constant -1.000000e+30 : f32
      %broadcast_in_dim3A = vector.broadcast %jit3A_133 : f32 to vector<3584x196xf32>
      %select_n3A_134 = arith.select %and3A_107, %sub3A_132, %broadcast_in_dim3A : vector<3584x196xi1>, vector<3584x196xf32>
      %reduce_max3A = arith.constant dense<0xFF800000> : vector<3584xf32>
      %reduce_max3A_135 = vector.multi_reduction <maximumf>, %select_n3A_134, %reduce_max3A [1] : vector<3584x196xf32> to vector<3584xf32>
      %broadcast_in_dim3A_136 = vector.shape_cast %reduce_max3A_135 : vector<3584xf32> to vector<3584x1xf32>
      %ge3A = vector.broadcast %broadcast_in_dim3A_136 : vector<3584x1xf32> to vector<3584x196xf32>
      %ge3A_137 = arith.cmpf oge, %select_n3A_134, %ge3A : vector<3584x196xf32>
      %jit3A_138 = arith.constant 196 : i32
      %broadcast_in_dim3A_139 = vector.broadcast %jit3A_138 : i32 to vector<3584x196xi32>
      %select_n3A_140 = arith.select %ge3A_137, %iota3A_29, %broadcast_in_dim3A_139 : vector<3584x196xi1>, vector<3584x196xi32>
      %reduce_min3A = arith.constant dense<2147483647> : vector<3584xi32>
      %reduce_min3A_141 = vector.multi_reduction <minsi>, %select_n3A_140, %reduce_min3A [1] : vector<3584x196xi32> to vector<3584xi32>
      %broadcast_in_dim3A_142 = vector.shape_cast %reduce_min3A_141 : vector<3584xi32> to vector<3584x1xi32>
      %swap3A = arith.constant 0 : index
      %swap3A_143 = arith.constant 0 : index
      %swap3A_144 = vector.load %arg2[%swap3A, %swap3A_143] : memref<3584x1xi32, #tpu.memory_space<vmem>>, vector<3584x1xi32>
      tpu.vector_store %arg2[%swap3A, %swap3A_143], %broadcast_in_dim3A_142 {strides = array<i32>} : memref<3584x1xi32, #tpu.memory_space<vmem>>, vector<3584x1xi32>,
      %eq3A_145 = vector.broadcast %broadcast_in_dim3A_142 : vector<3584x1xi32> to vector<3584x196xi32>
      %eq3A_146 = arith.cmpi eq, %iota3A_29, %eq3A_145 : vector<3584x196xi32>
      %convert_element_type3A_147 = arith.extui %eq3A_146 : vector<3584x196xi1> to vector<3584x196xi32>
      %convert_element_type3A_148 = arith.sitofp %convert_element_type3A_147 : vector<3584x196xi32> to vector<3584x196xf32>
      %get3A_149 = arith.constant 0 : index
      %get3A_150 = arith.constant 0 : index
      %get3A_151 = vector.load %arg6[%get3A_149, %get3A_150] : memref<96x196xf32, #tpu.memory_space<vmem>>, vector<96x196xf32>
      %dot_general3A_152 = arith.constant dense<0.000000e+00> : vector<96x196xf32>
      %dot_general3A_153 = tpu.matmul %get3A_92, %convert_element_type3A_148, %dot_general3A_152 {dimension_numbers = #tpu.dot_dimension_numbers<[0], [0], [1], [1], [0, 1, 1, 1], [], []>, precision = #tpu.contract_precision<fp32>, transpose_lhs_hint = false} : vector<3584x96xf32>, vector<3584x196xf32>, vector<96x196xf32> -> vector<96x196xf32>
      %add3A_154 = arith.addf %get3A_151, %dot_general3A_153 : vector<96x196xf32>
      %swap3A_155 = arith.constant 0 : index
      %swap3A_156 = arith.constant 0 : index
      %swap3A_157 = vector.load %arg6[%swap3A_155, %swap3A_156] : memref<96x196xf32, #tpu.memory_space<vmem>>, vector<96x196xf32>
      tpu.vector_store %arg6[%swap3A_155, %swap3A_156], %add3A_154 {strides = array<i32>} : memref<96x196xf32, #tpu.memory_space<vmem>>, vector<96x196xf32>,
      %get3A_158 = arith.constant 0 : index
      %get3A_159 = arith.constant 0 : index
      %get3A_160 = vector.load %arg7[%get3A_158, %get3A_159] : memref<1x196xf32, #tpu.memory_space<vmem>>, vector<1x196xf32>
      %reduce_sum3A = arith.constant dense<0.000000e+00> : vector<196xf32>
      %reduce_sum3A_161 = vector.multi_reduction <add>, %convert_element_type3A_148, %reduce_sum3A [0] : vector<3584x196xf32> to vector<196xf32>
      %broadcast_in_dim3A_162 = vector.shape_cast %reduce_sum3A_161 : vector<196xf32> to vector<1x196xf32>
      %add3A_163 = arith.addf %get3A_160, %broadcast_in_dim3A_162 : vector<1x196xf32>
      %swap3A_164 = arith.constant 0 : index
      %swap3A_165 = arith.constant 0 : index
      %swap3A_166 = vector.load %arg7[%swap3A_164, %swap3A_165] : memref<1x196xf32, #tpu.memory_space<vmem>>, vector<1x196xf32>
      tpu.vector_store %arg7[%swap3A_164, %swap3A_165], %add3A_163 {strides = array<i32>} : memref<1x196xf32, #tpu.memory_space<vmem>>, vector<1x196xf32>,
    } else {
    }
    return
  }
  func.func @transform_0(%arg0: i32) -> (i32, i32) {
    %c0_i32 = arith.constant 0 : i32
    %c0_i32_0 = arith.constant 0 : i32
    %c0_i32_1 = arith.constant 0 : i32
    return %c0_i32, %c0_i32_0 : i32, i32
  }
  func.func @transform_1(%arg0: i32) -> (i32, i32) {
    %jit3A = arith.constant 14 : i32
    %div3A = arith.divsi %arg0, %jit3A : i32
    %sign3A = arith.constant 0 : i32
    %sign3A_0 = arith.cmpi sgt, %arg0, %sign3A : i32
    %sign3A_1 = arith.extui %sign3A_0 : i1 to i32
    %sign3A_2 = arith.constant 0 : i32
    %sign3A_3 = arith.cmpi slt, %arg0, %sign3A_2 : i32
    %sign3A_4 = arith.extui %sign3A_3 : i1 to i32
    %sign3A_5 = arith.subi %sign3A_1, %sign3A_4 : i32
    %sign3A_6 = arith.constant 0 : i32
    %sign3A_7 = arith.cmpi sgt, %jit3A, %sign3A_6 : i32
    %sign3A_8 = arith.extui %sign3A_7 : i1 to i32
    %sign3A_9 = arith.constant 0 : i32
    %sign3A_10 = arith.cmpi slt, %jit3A, %sign3A_9 : i32
    %sign3A_11 = arith.extui %sign3A_10 : i1 to i32
    %sign3A_12 = arith.subi %sign3A_8, %sign3A_11 : i32
    %ne3A = arith.cmpi ne, %sign3A_5, %sign3A_12 : i32
    %rem3A = arith.remsi %arg0, %jit3A : i32
    %ne3A_13 = arith.constant 0 : i32
    %ne3A_14 = arith.cmpi ne, %rem3A, %ne3A_13 : i32
    %and3A = arith.andi %ne3A, %ne3A_14 : i1
    %sub3A = arith.constant 1 : i32
    %sub3A_15 = arith.subi %div3A, %sub3A : i32
    %select_n3A = arith.select %and3A, %sub3A_15, %div3A : i32
    %eq3A = arith.constant 3 : i32
    %eq3A_16 = arith.cmpi eq, %select_n3A, %eq3A : i32
    %jit3A_17 = arith.constant 14 : i32
    %eq3A_18 = arith.constant 0 : i32
    %eq3A_19 = arith.cmpi eq, %jit3A_17, %eq3A_18 : i32
    %jit3A_20 = arith.constant 1 : i32
    %select_n3A_21 = arith.select %eq3A_19, %jit3A_20, %jit3A_17 : i32
    %rem3A_22 = arith.remsi %arg0, %select_n3A_21 : i32
    %ne3A_23 = arith.constant 0 : i32
    %ne3A_24 = arith.cmpi ne, %rem3A_22, %ne3A_23 : i32
    %lt3A = arith.constant 0 : i32
    %lt3A_25 = arith.cmpi slt, %rem3A_22, %lt3A : i32
    %lt3A_26 = arith.constant 0 : i32
    %lt3A_27 = arith.cmpi slt, %select_n3A_21, %lt3A_26 : i32
    %ne3A_28 = arith.xori %lt3A_25, %lt3A_27 : i1
    %and3A_29 = arith.andi %ne3A_28, %ne3A_24 : i1
    %add3A = arith.addi %rem3A_22, %select_n3A_21 : i32
    %select_n3A_30 = arith.select %and3A_29, %add3A, %rem3A_22 : i32
    %jit3A_31 = arith.constant 14 : i32
    %select_n3A_32 = arith.select %eq3A_16, %select_n3A_30, %jit3A_31 : i32
    %c0_i32 = arith.constant 0 : i32
    %c0_i32_33 = arith.constant 0 : i32
    return %select_n3A_32, %c0_i32 : i32, i32
  }
  func.func @transform_2(%arg0: i32) -> (i32, i32) {
    %c0_i32 = arith.constant 0 : i32
    %c0_i32_0 = arith.constant 0 : i32
    %c0_i32_1 = arith.constant 0 : i32
    return %c0_i32, %c0_i32_0 : i32, i32
  }
}

</mosaic_0001>

<sc_bundles>
// kernel: kernel.4.cloned.1.call-start
scs
__scs_entry_jumppad:
0x0: {  	(pc) =	sbr.rel $0x88, $3  }
0x1: {  	(tag) =	ssettag $0x0;
	lr =	simm.s32 $0x1  }
0x2: {  	[smem:$0x3FA0] =	sst lr;
	_ =	strace $0xD0000000  }
0x3: {  	_ = 	snop  }
0x4: {  	_ = 	snop  }
0x5: {  	_ = 	snop  }
0x6: {  	_ = 	snop  }
0x7: {  	_ = 	snop  }
__scs_overlays_trampoline_lowered:
0x8: {  	[smem:$0x3FAF] =	sst s0  }
0x9: {  	[smem:$0x3FB0] =	sst s1  }
0xa: {  	[smem:$0x3FB1] =	sst s2  }
0xb: {  	[smem:$0x3FB2] =	sst s3  }
0xc: {  	[smem:$0x3FB3] =	sst s4  }
0xd: {  	[smem:$0x3FB4] =	sst s5  }
0xe: {  	[smem:$0x3FB5] =	sst s6  }
0xf: {  	[smem:$0x3FB6] =	sst s7  }
0x10: {  	[smem:$0x3FB7] =	sst s8  }
0x11: {  	[smem:$0x3FB8] =	sst s9;
	s0 =	simm.s32 @!p0 $0x0  }
0x12: {  	s1 =	sld [smem:$0x3F9E];
	s0 =	simm.s32 @p0 $0x1  }
0x13: {  	[smem:$0x3FB9] =	sst s0;
	s0 =	simm.s32 @!p1 $0x0  }
0x14: {  	s2 =	sld [smem:$0x3F9D];
	s0 =	simm.s32 @p1 $0x1  }
0x15: {  	[smem:$0x3FBA] =	sst s0;
	s0 =	simm.s32 @!p2 $0x0  }
0x16: {  	s3 =	sld [smem:$0x3FDB];
	s0 =	simm.s32 @p2 $0x1  }
0x17: {  	s4 =	simm.s32 $0x1BF5;
	[smem:$0x3FBC] =	sst s0  }
0x18: {  	s0 =	sld [smem:$0x3F9F];
	_ =	swait.ge [sflag:s4], $0x0  }
0x19: {  	s7 =	sld [smem:$0x3FA0]  }
0x1a: {  	s8 =	sadd.s32 $0xFFFFE003, lr  }
0x1b: {  	s9 =	sadd.s32 $0xFFFFFEF7, lr;
	s5 =	simm.s32 $0xFFFFFFFF;
	p2 =	slt.u32 s8, $0xFFFFF086  }
0x1c: {  	p1 =	slt.u32 s9, $0xF7A;
	s5 =	simm.s32 @!p2 $0x0  }
0x1d: {  	s5 =	simm.s32 @p1 $0x1;
	p0 =	seq.s32 s7, s2  }
0x1e: {  	s7 =	smul.u32 @!p0 $0xF7A, s2;
	p2 =	seq.s32 @!p0 s5, $0x0  }
0x1f: {  	s9 =	smul.u32 $0xF7A, s1;
	s8 =	simm.s32 @!p0 $0x1BF5;
	p2 =	por !p2, p0  }
0x20: {  	[sflag:s8] =	ssyncset.s32 @!p0 $0xFFFFF086;
	s6 =	sadd.s32 @!p0 s3, s7;
	s7 =	simm.s32 @!p0 $0x108  }
0x21: {  	s3 =	sadd.s32 s3, s9;
	s6 =	sadd.s32 @!p0 $0x88, s6;
	s7 =	simm.s32 @p2 $0x1082  }
0x22: {  	[simem:s7], [sflag:s8] =	dma.local @!p0 [hbm:s6], $0xF7A  }
0x23: {  	s9 =	sor.u32 $0xD0000000, s2;
	s6 =	simm.s32 $0x108;
	_ =	swait.ge @!p0 [sflag:s8], $0x0  }
0x24: {  	s3 =	sadd.s32 $0x88, s3;
	s6 =	simm.s32 @!p1 $0x1082;
	[sflag:s4] =	ssyncset.s32 $0xFFFFF086  }
0x25: {  	[simem:s6], [sflag:s4] =	dma.local [hbm:s3], $0xF7A  }
0x26: {  	[smem:$0x3FA0] =	sst s1;
	(tag) =	ssettag s2;
	_ =	strace s9  }
0x27: {  	s1 =	sld [smem:$0x3FB0]  }
0x28: {  	s2 =	sld [smem:$0x3FB1]  }
0x29: {  	s4 =	sld [smem:$0x3FB3]  }
0x2a: {  	p0 =	seq.s32 s5, $0x0;
	s5 =	sld [smem:$0x3FB4]  }
0x2b: {  	s6 =	sld [smem:$0x3FB5]  }
0x2c: {  	s7 =	sld [smem:$0x3FB6]  }
0x2d: {  	s3 =	simm.s32 $0x108;
	s8 =	sld [smem:$0x3FB7]  }
0x2e: {  	s3 =	simm.s32 @!p0 $0x1082;
	s9 =	sld [smem:$0x3FB8]  }
0x2f: {  	lr =	sadd.s32 s0, s3;
	s0 =	sld [smem:$0x3FAF]  }
0x30: {  	s3 =	sld [smem:$0x3FB2]  }
0x31: {  	[smem:$0x3FBB] =	sst s10  }
0x32: {  	s10 =	sld [smem:$0x3FB9];
	_ =	sdelay $0x3  }
0x33: {  	p0 =	seq.s32 s10, $0x1;
	s10 =	sld [smem:$0x3FBB];
	_ =	sdelay $0x3  }
0x34: {  	[smem:$0x3FBB] =	sst s10  }
0x35: {  	s10 =	sld [smem:$0x3FBA];
	_ =	sdelay $0x3  }
0x36: {  	p1 =	seq.s32 s10, $0x1;
	s10 =	sld [smem:$0x3FBB];
	_ =	sdelay $0x3  }
0x37: {  	[smem:$0x3FBB] =	sst s10  }
0x38: {  	s10 =	sld [smem:$0x3FBC]  }
0x39: {  	_ = 	snop;
	(pc) =	sbr.ind lr, $3  }
0x3a: {  	_ = 	snop  }
0x3b: {  	_ = 	snop  }
0x3c: {  	p2 =	seq.s32 s10, $0x1;
	s10 =	sld [smem:$0x3FBB]  }
0x3d: {  	_ =	shalt  }
0x3e: {  	_ =	shalt  }
0x3f: {  	_ =	shalt  }
0x40: {  	_ =	shalt  }
0x41: {  	_ =	shalt  }
0x42: {  	_ =	shalt  }
0x43: {  	_ =	shalt  }
0x44: {  	_ =	shalt  }
0x45: {  	_ =	shalt  }
0x46: {  	_ =	shalt  }
0x47: {  	_ =	shalt  }
0x48: {  	_ =	shalt  }
0x49: {  	_ =	shalt  }
0x4a: {  	_ =	shalt  }
0x4b: {  	_ =	shalt  }
0x4c: {  	_ =	shalt  }
0x4d: {  	_ =	shalt  }
0x4e: {  	_ =	shalt  }
0x4f: {  	_ =	shalt  }
0x50: {  	_ =	shalt  }
0x51: {  	_ =	shalt  }
0x52: {  	_ =	shalt  }
0x53: {  	_ =	shalt  }
0x54: {  	_ =	shalt  }
0x55: {  	_ =	shalt  }
0x56: {  	_ =	shalt  }
0x57: {  	_ =	shalt  }
0x58: {  	_ =	shalt  }
0x59: {  	_ =	shalt  }
0x5a: {  	_ =	shalt  }
0x5b: {  	_ =	shalt  }
0x5c: {  	_ =	shalt  }
0x5d: {  	_ =	shalt  }
0x5e: {  	_ =	shalt  }
0x5f: {  	_ =	shalt  }
0x60: {  	_ =	shalt  }
0x61: {  	_ =	shalt  }
0x62: {  	_ =	shalt  }
0x63: {  	_ =	shalt  }
0x64: {  	_ =	shalt  }
0x65: {  	_ =	shalt  }
0x66: {  	_ =	shalt  }
0x67: {  	_ =	shalt  }
0x68: {  	_ =	shalt  }
0x69: {  	_ =	shalt  }
0x6a: {  	_ =	shalt  }
0x6b: {  	_ =	shalt  }
0x6c: {  	_ =	shalt  }
0x6d: {  	_ =	shalt  }
0x6e: {  	_ =	shalt  }
0x6f: {  	_ =	shalt  }
0x70: {  	_ =	shalt  }
0x71: {  	_ =	shalt  }
0x72: {  	_ =	shalt  }
0x73: {  	_ =	shalt  }
0x74: {  	_ =	shalt  }
0x75: {  	_ =	shalt  }
0x76: {  	_ =	shalt  }
0x77: {  	_ =	shalt  }
0x78: {  	_ =	shalt  }
0x79: {  	_ =	shalt  }
0x7a: {  	_ =	shalt  }
0x7b: {  	_ =	shalt  }
0x7c: {  	_ =	shalt  }
0x7d: {  	_ =	shalt  }
0x7e: {  	_ =	shalt  }
0x7f: {  	_ =	shalt  }
0x80: {  	_ =	shalt  }
0x81: {  	_ =	shalt  }
0x82: {  	_ =	shalt  }
0x83: {  	_ =	shalt  }
0x84: {  	_ =	shalt  }
0x85: {  	_ =	shalt  }
0x86: {  	_ =	shalt  }
0x87: {  	_ =	shalt  }
.Lfunc_end0:
.L_simem_size_0:
called_computation_lowered:
.L_overlay_start_0:
0x88: {  	s2 =	sld [smem:$0x3FD9]  }
0x89: {  	s3 =	sld [smem:$0x3FFE];
	_ =	sdelay $0x1  }
0x8a: {  	s1 =	srdreg.scid  }
0x8b: {  	s0 =	sand.u32 $0x1, s1  }
0x8c: {  	s17 =	sshll.u32 s0, $0xA;
	s2 =	sadd.s32 s3, s2  }
0x8d: {  	s2 =	sadd.s32 s2, s17  }
0x8e: {  	[smem:$0x3FC7] =	sst s2  }
0x8f: {  	_ = 	snop  }
0x90: {  	s2 =	sld [smem:$0x3FD0];
	(tm) =	ssettm $0x1  }
0x91: {  	s18 =	sld [smem:$0x3FFB];
	_ =	sdelay $0x3  }
0x92: {  	_ =	strace s18  }
0x93: {  	s3 =	sld [smem:$0x3FFC];
	_ =	sdelay $0x3  }
0x94: {  	_ =	strace s3  }
0x95: {  	s3 =	sld [smem:$0x3FFD];
	_ =	sdelay $0x3  }
0x96: {  	_ =	strace s3  }
0x97: {  	_ =	strace $0x8FFFFFFF  }
0x98: {  	s19 =	sld [smem:$0x3FDB];
	_ =	sdelay $0x1  }
0x99: {  	s4 =	simm.s32 $_scs_section_size  }
0x9a: {  	s5 =	simm.s32 $_size__tile_overlayer_lowered;
	s6 =	simm.s32 $_tile_overlayer_lowered  }
0x9b: {  	s22 =	simm.s32 $0x1BFF;
	s21 =	sshll.u32 s6, $0x1;
	s3 =	sadd.s32 s4, s19  }
0x9c: {  	s7 =	simm.s32 $0x0;
	s20 =	sshll.u32 s5, $0x1;
	s5 =	sadd.s32 s21, s3  }
0x9d: {  	[timem:s7], [sflag:s22] =	dma.local [hbm:s5], s20  }
0x9e: {  	_ =	swait.ge [sflag:s22], s20  }
0x9f: {  	s4 =	ssub.s32 $0x0, s20;
	[sflag:s22] =	ssyncset.done $0x0  }
0xa0: {  	[sflag:s22] =	ssyncadd.s32 s4;
	_ =	sdelay $0x1  }
0xa1: {  	s23 =	simm.s32 $0x1B8B  }
0xa2: {  	_ =	swait.ge [sflag:s23], $0x1  }
0xa3: {  	[sflag:s23] =	ssyncset.done $0x0  }
0xa4: {  	s25 =	simm.s32 $0x1B8E;
	s24 =	sld [smem:$0x3FFE];
	[sflag:s23] =	ssyncadd.s32 $0xFFFFFFFF  }
0xa5: {  	s26 =	simm.s32 $execute0_lowered;
	[smem:$0x3FD2] =	sst s25  }
0xa6: {  	s5 =	sshll.u32 s26, $0x1;
	_ =	strace $0x80000046;
	[dreg:$0x1] =	wrdreg $0xFFFFFFFF  }
0xa7: {  	s28 =	simm.s32 $_size_execute0_lowered;
	s3 =	sadd.s32 s3, s5;
	[dreg:$0x0] =	wrdreg $0x0  }
0xa8: {  	s5 =	sshll.u32 s28, $0x1;
	[dreg:$0x2] =	wrdreg s3  }
0xa9: {  	[dreg:$0x3] =	wrdreg s5  }
0xaa: {  	[dreg:$0x4] =	wrdreg $0xC0  }
0xab: {  	_ =	task [dreg:s7], $0x5FFFF  }
0xac: {  	[dreg:$0x1] =	wrdreg $0xFFFFFFFF  }
0xad: {  	[dreg:$0x0] =	wrdreg $0x60  }
0xae: {  	[dreg:$0x2] =	wrdreg s24  }
0xaf: {  	[dreg:$0x3] =	wrdreg s2  }
0xb0: {  	[dreg:$0x4] =	wrdreg $0x9  }
0xb1: {  	_ =	task.clear_ibuf [dreg:s7], $0x5FFFF;
	_ =	strace $0x90000046  }
0xb2: {  	s29 =	simm.s32 $0x9;
	_ =	strace $0x80000048  }
0xb3: {  	_ =	swait.ge [sflag:s29], $0x1  }
0xb4: {  	[sflag:s29] =	ssyncadd.s32 $0xFFFFFFFF  }
0xb5: {  	_ =	strace $0x90000048  }
0xb6: {  	_ =	sfence  }
0xb7: {  	s30 =	sld [smem:$0x0];
	_ =	sdelay $0x2  }
0xb8: {  	s31 =	sshll.u32 s1, $0xD;
	s1 =	sshrl.u32 s1, $0x2  }
0xb9: {  	s3 =	sand.u32 $0x4000, s31;
	s1 =	sadd.s32 s1, s30  }
0xba: {  	s0 =	sor.u32 s3, s0;
	s1 =	sshll.u32 s1, $0x11  }
0xbb: {  	s0 =	sor.u32 s1, s0  }
0xbc: {  	s0 =	sadd.s32 $0x8F2B, s0  }
0xbd: {  	[sflag:s0] =	ssyncadd.remote.s32 $0x1  }
0xbe: {  	_ =	sfence.sel $0xFFFF  }
0xbf: {  	[dreg:$0x0] =	wrdreg $0xFFFFFFFF;
	(pc) =	sbr.abs _section_cstart, $3  }
0xc0: {  	[dreg:$0x1] =	wrdreg $0xFFFFFFFF  }
0xc1: {  	_ =	task.clear_ibuf [dreg:s7], $0x2FFFF;
	_ =	strace $0x9FFFFFFF  }
0xc2: {  	(tm) =	ssettm $0x7FFFFFFF  }
0xc3: {  	_ =	shalt  }
tec
execute0_lowered:
.L_overlay_start_1:
0x0: {  	(tag) =	ssettag $0x1  }
0x1: {  	s1 =	srdreg.scid;
	s0 =	stileid.u32  }
0x2: {  	s11 =	sand.u32 $0x1, s1;
	s28 =	sshll.u32 s0, $0x1  }
0x3: {  	s9 =	rddreg [dreg:$0x0];
	s10 =	sor.u32 s11, s28  }
0x4: {  	s12 =	rddreg [dreg:$0x1];
	s13 =	smul.u32 $0x620, s10  }
0x5: {  	s2 =	simm.s32 $0x0;
	s1 =	rddreg [dreg:$0x2]  }
0x6: {  	[smem:$0x7FF] =	sst s2;
	s3 =	sshrl.u32 s13, $0x3  }
0x7: {  	_ =	strace $0x80000047;
	s4 =	sadd.s32 s12, s3;
	s3 =	simm.s32 $0x2  }
0x8: {  	[tilespmem:s2], [sflag:$0x2] =	stream.linear.gather [hbm4b:s4+s2], $0x310, $0x38;
	[tilespmem:$0x18B80] =	vst v63  }
0x9: {  	_ =	swait.ge [sflag:s3], $0x310  }
0xa: {  	s6 =	simm.s32 $0x310;
	s7 =	simm.s32 $0x380;
	[sflag:s3] =	ssyncset.done $0x0  }
0xb: {  	s8 =	simm.s32 $0x1;
	s5 =	sadd.s32 $0x200, s9;
	[sflag:s3] =	ssyncadd.s32 $0xFFFFFCF0  }
0xc: {  	[tilespmem:s7], [sflag:$0x1] =	stream.indirect.gather [hbm4b:s5+s6], $0x80, s2, s6, $0xb8;
	[tilespmem:$0x18B80] =	vst v63  }
0xd: {  	s10 =	smul.u32 $0x6200, s10;
	_ =	swait.ge [sflag:s8], $0x18800  }
0xe: {  	s14 =	sadd.s32 $0x1000, s9;
	[sflag:s8] =	ssyncset.done $0x0  }
0xf: {  	s9 =	sadd.s32 s14, s10;
	[sflag:s8] =	ssyncadd.s32 $0xFFFE7800  }
0x10: {  	[hbm4b:s9+s2] =	stream.linear.scatter [tilespmem:s7], [sflag:$0x2], $0x18800, $0x38;
	[tilespmem:$0x18B80] =	vst v63  }
0x11: {  	s13 =	sadd.s32 $0x310, s13;
	_ =	swait.ge [sflag:s3], $0x18800  }
0x12: {  	s29 =	sshrl.u32 s13, $0x3;
	[sflag:s3] =	ssyncset.done $0x0  }
0x13: {  	s11 =	ssub.s32 $0x2, s11;
	s10 =	sadd.s32 s12, s29;
	[sflag:s3] =	ssyncadd.s32 $0xFFFE7800  }
0x14: {  	[tilespmem:s2], [sflag:$0x2] =	stream.linear.gather [hbm4b:s10+s2], $0x310, $0x38;
	[tilespmem:$0x18B80] =	vst v63  }
0x15: {  	s30 =	sshrl.u32 s11, $0x1;
	_ =	swait.ge [sflag:s3], $0x310  }
0x16: {  	s12 =	ssub.s32 s11, s30;
	[sflag:s3] =	ssyncset.done $0x0  }
0x17: {  	s12 =	smax.u32 s12, $0x1;
	[sflag:s3] =	ssyncadd.s32 $0xFFFFFCF0  }
0x18: {  	[tilespmem:s7], [sflag:$0x1] =	stream.indirect.gather [hbm4b:s5+s6], $0x80, s2, s6, $0xb8;
	[tilespmem:$0x18B80] =	vst v63  }
0x19: {  	p0 =	sne.s32 s12, $0x1;
	_ =	swait.ge [sflag:s8], $0x18800  }
.Ltmp0:
0x1a: {  	s31 =	sshll.u32 s13, $0x4;
	[sflag:s8] =	ssyncset.done $0x0;
	(pc) =	sbr.rel @!p0 .LBB2_2-.Ltmp0, $4  }
0x1b: {  	s11 =	sadd.s32 s14, s31;
	[sflag:s8] =	ssyncadd.s32 $0xFFFE7800  }
0x1c: {  	[hbm4b:s11+s2] =	stream.linear.scatter [tilespmem:s7], [sflag:$0x2], $0x18800, $0x38;
	[tilespmem:$0x18B80] =	vst v63  }
0x1d: {  	_ =	swait.ge [sflag:s3], $0x18800  }
0x1e: {  	s12 =	sadd.s32 $0xFFFFFFFF, s12;
	[sflag:s3] =	ssyncset.done $0x0  }
.LBB2_1:
0x1f: {  	p0 =	sne.s32 s12, $0x1;
	s12 =	sadd.s32 $0xFFFFFFFF, s12;
	[sflag:s3] =	ssyncadd.s32 $0xFFFE7800  }
0x20: {  	[tilespmem:s2], [sflag:$0x2] =	stream.linear.gather [hbm4b:s4+s2], $0x310, $0x38;
	[tilespmem:$0x18B80] =	vst v63  }
0x21: {  	_ =	swait.ge [sflag:s3], $0x310  }
0x22: {  	[sflag:s3] =	ssyncset.done $0x0  }
0x23: {  	[sflag:s3] =	ssyncadd.s32 $0xFFFFFCF0  }
0x24: {  	[tilespmem:s7], [sflag:$0x1] =	stream.indirect.gather [hbm4b:s5+s6], $0x80, s2, s6, $0xb8;
	[tilespmem:$0x18B80] =	vst v63  }
0x25: {  	_ =	swait.ge [sflag:s8], $0x18800  }
0x26: {  	[sflag:s8] =	ssyncset.done $0x0  }
0x27: {  	[sflag:s8] =	ssyncadd.s32 $0xFFFE7800  }
0x28: {  	[hbm4b:s9+s2] =	stream.linear.scatter [tilespmem:s7], [sflag:$0x2], $0x18800, $0x38;
	[tilespmem:$0x18B80] =	vst v63  }
0x29: {  	_ =	swait.ge [sflag:s3], $0x18800  }
0x2a: {  	[sflag:s3] =	ssyncset.done $0x0  }
0x2b: {  	[sflag:s3] =	ssyncadd.s32 $0xFFFE7800  }
0x2c: {  	[tilespmem:s2], [sflag:$0x2] =	stream.linear.gather [hbm4b:s10+s2], $0x310, $0x38;
	[tilespmem:$0x18B80] =	vst v63  }
0x2d: {  	_ =	swait.ge [sflag:s3], $0x310  }
0x2e: {  	[sflag:s3] =	ssyncset.done $0x0  }
0x2f: {  	[sflag:s3] =	ssyncadd.s32 $0xFFFFFCF0  }
0x30: {  	[tilespmem:s7], [sflag:$0x1] =	stream.indirect.gather [hbm4b:s5+s6], $0x80, s2, s6, $0xb8;
	[tilespmem:$0x18B80] =	vst v63  }
0x31: {  	_ =	swait.ge [sflag:s8], $0x18800  }
.Ltmp1:
0x32: {  	[sflag:s8] =	ssyncset.done $0x0;
	(pc) =	sbr.rel @p0 .LBB2_1-.Ltmp1, $4  }
0x33: {  	[sflag:s8] =	ssyncadd.s32 $0xFFFE7800  }
0x34: {  	[hbm4b:s11+s2] =	stream.linear.scatter [tilespmem:s7], [sflag:$0x2], $0x18800, $0x38;
	[tilespmem:$0x18B80] =	vst v63  }
0x35: {  	_ =	swait.ge [sflag:s3], $0x18800  }
0x36: {  	[sflag:s3] =	ssyncset.done $0x0  }
.LBB2_2:
0x37: {  	[sflag:s3] =	ssyncadd.s32 $0xFFFE7800  }
0x38: {  	_ =	sfence.sel $0x180000  }
0x39: {  	[bflag:$0x0] =	sbarrier.arrive $0xFFFF  }
0x3a: {  	p0 =	sne.s32 s0, $0x0;
	_ =	strace $0x90000047  }
0x3b: {  	s0 =	sadd.s32 @!p0 $0x100000, s1;
	[bflag:$0x2] =	sbarrier.arrive $0xFFFF  }
0x3c: {  	[sflag:s0] =	ssyncadd.tile.s32 @!p0 $0x1;
	_ =	shalt  }
.Lfunc_end2:
_tile_overlayer_lowered:
.L_overlay_start_2:
0x3d: {  	(tag) =	ssettag $0x2  }
0x3e: {  	s0 =	rddreg [dreg:$0x0];
	s2 =	stileid.u32  }
0x3f: {  	s1 =	rddreg [dreg:$0x1];
	p0 =	sne.s32 s2, $0x0  }
0x40: {  	s3 =	rddreg [dreg:$0x2];
	[bflag:$0x3] =	sbarrier.arrive $0xFFFF;
	s2 =	simm.s32 @!p0 $0x1C02  }
0x41: {  	[timem:s3], [sflag:s2] =	dma.local @!p0 [hbm:s0], s1  }
0x42: {  	s0 =	simm.s32 @!p0 $0x2  }
0x43: {  	_ =	swait.ge @!p0 [sflag:s0], s1  }
0x44: {  	s1 =	ssub.s32 @!p0 $0x0, s1;
	[sflag:s0] =	ssyncset.done @!p0 $0x0  }
0x45: {  	[sflag:s0] =	ssyncadd.s32 @!p0 s1  }
0x46: {  	[bflag:$0x3] =	sbarrier.arrive $0xFFFF  }
0x47: {  	_ =	shalt  }

</sc_bundles>
